<compile_context>
chip_gen: v7x
topology: tpu7x:2x2x1
jax: 0.10.2.dev20260603
libtpu: 0.0.44.dev20260713+nightly
codegen_flags: <defaults>
</compile_context>

<pallas_src>
import jax
import jax.numpy as jnp
from jax import lax
from jax.experimental import pallas as pl
from jax.experimental.pallas import tpu as pltpu
from jax.experimental.pallas import tpu_sc as plsc

N = 320000
D = 128
H = 128
NUM_SEG = 10000

BN = 4000
W = 128
TBL = 10240
GRID = N // BN


def _pool_body(mins_ref, maxs_ref, ids_ref, x_ref, w1_ref, b1_ref, w2_ref,
               b2_ref, acc_ref, cnt_ref):
    i = pl.program_id(0)

    @pl.when(i == 0)
    def _init():
        acc_ref[...] = jnp.zeros_like(acc_ref)
        cnt_ref[...] = jnp.zeros_like(cnt_ref)

    h = jnp.dot(x_ref[...], w1_ref[...], preferred_element_type=jnp.float32)
    h = jnp.maximum(h + b1_ref[...], 0.0)
    h = jnp.dot(h, w2_ref[...], preferred_element_type=jnp.float32)
    h = jnp.maximum(h + b2_ref[...], 0.0)

    h_hi = h.astype(jnp.bfloat16).astype(jnp.float32)
    h_lo = h - h_hi
    h_cat = jnp.concatenate([h_hi, h_lo], axis=1)

    ids = ids_ref[0]
    w0 = mins_ref[i] // W
    npass = maxs_ref[i] // W - w0 + 1

    def one_window(p, _):
        base = pl.multiple_of((w0 + p) * W, W)
        iota = lax.broadcasted_iota(jnp.int32, (W, BN), 0) + base
        onehot = (iota == ids).astype(jnp.float32)
        dims = (((1,), (0,)), ((), ()))
        both = lax.dot_general(onehot, h_cat, dims,
                               preferred_element_type=jnp.float32)
        part = both[:, :H] + both[:, H:]
        acc_ref[pl.ds(base, W), :] = acc_ref[pl.ds(base, W), :] + part
        cnt_ref[pl.ds(base, W), :] = (
            cnt_ref[pl.ds(base, W), :] + jnp.sum(onehot, axis=1, keepdims=True))
        return 0

    lax.fori_loop(0, npass, one_window, 0)


def _finish_body(acc_ref, cnt_ref, w3_ref, b3_ref, w_out_ref):
    pooled = acc_ref[...] / cnt_ref[...]
    y = jnp.dot(pooled, w3_ref[...], preferred_element_type=jnp.float32)
    w_out_ref[...] = jnp.maximum(y + b3_ref[...], 0.0)


def _segment_weights(x, batch3d, mins, maxs, W1, b1, W2, b2, W3, b3):
    full = lambda i: (0, 0)
    smem = pl.BlockSpec(memory_space=pltpu.SMEM)
    acc, cnt = pl.pallas_call(
        _pool_body,
        grid=(GRID,),
        in_specs=[
            smem,
            smem,
            pl.BlockSpec((1, 1, BN), lambda i: (i, 0, 0)),
            pl.BlockSpec((BN, D), lambda i: (i, 0)),
            pl.BlockSpec((D, H), full),
            pl.BlockSpec((1, H), full),
            pl.BlockSpec((H, H), full),
            pl.BlockSpec((1, H), full),
        ],
        out_specs=[
            pl.BlockSpec((TBL, H), full),
            pl.BlockSpec((TBL, 1), full),
        ],
        out_shape=[
            jax.ShapeDtypeStruct((TBL, H), jnp.float32),
            jax.ShapeDtypeStruct((TBL, 1), jnp.float32),
        ],
    )(mins, maxs, batch3d, x, W1, b1.reshape(1, H), W2, b2.reshape(1, H))
    return pl.pallas_call(
        _finish_body,
        out_shape=jax.ShapeDtypeStruct((TBL, 1), jnp.float32),
    )(acc, cnt, W3, b3.reshape(1, 1))



NC = 2
NS = 16
L = 16
NW = NC * NS
CHUNK = N // NW


def _sc_body(w_hbm, batch_hbm, out_hbm, wtbl_v, ids_v, out_v):
    wid = lax.axis_index("s") * NC + lax.axis_index("c")
    base = wid * CHUNK

    pltpu.sync_copy(w_hbm, wtbl_v)
    pltpu.sync_copy(batch_hbm.at[pl.ds(base, CHUNK)], ids_v)

    def gath(k, _):
        ids = ids_v[pl.ds(k * L, L)]
        out_v[pl.ds(k * L, L)] = plsc.load_gather(wtbl_v, [ids])
        return 0

    lax.fori_loop(0, CHUNK // L, gath, 0)

    pltpu.sync_copy(out_v, out_hbm.at[pl.ds(base, CHUNK)])


def _sc_gather(weights, batch):
    mesh = plsc.VectorSubcoreMesh(core_axis_name="c", subcore_axis_name="s")
    return pl.kernel(
        _sc_body,
        out_type=jax.ShapeDtypeStruct((N,), jnp.float32),
        mesh=mesh,
        compiler_params=pltpu.CompilerParams(needs_layout_passes=False),
        scratch_types=[
            pltpu.VMEM((TBL,), jnp.float32),
            pltpu.VMEM((CHUNK,), jnp.int32),
            pltpu.VMEM((CHUNK,), jnp.float32),
        ],
    )(weights, batch)


def kernel(x, batch, W1, b1, W2, b2, W3, b3):
    batch = batch.astype(jnp.int32)
    x = x.astype(jnp.float32)
    batch3d = batch.reshape(GRID, 1, BN)
    mins = batch[:: BN]
    maxs = batch[BN - 1 :: BN]
    weights = _segment_weights(x, batch3d, mins, maxs, W1, b1, W2, b2, W3, b3)
    return _sc_gather(weights.reshape(TBL), batch)

# --- scband reference (transcript-rebuilt; emitter-appended) ---
"""Pipeline reference for scband-reflectance-weighting-66649302499629 (READ-ONLY COPY).

The authoritative reference and input builder live on the scoring server;
editing this copy changes nothing except your own understanding.
"""

import jax, jax.numpy as jnp
import numpy as np

N = 320000
D = 128
H = 128
NUM_SEG = 10000


def setup_inputs(seed: int = 0) -> dict:
    key = jax.random.key(seed)
    ks = jax.random.split(key, 8)
    x = jax.random.normal(ks[0], (N, D), dtype=jnp.float32)
    batch = jnp.sort(jax.random.randint(ks[1], (N,), 0, NUM_SEG)).astype(jnp.int32)
    W1 = jax.random.normal(ks[2], (D, H), dtype=jnp.float32) * (1.0 / np.sqrt(D))
    b1 = jnp.zeros((H,), dtype=jnp.float32)
    W2 = jax.random.normal(ks[3], (H, H), dtype=jnp.float32) * (1.0 / np.sqrt(H))
    b2 = jnp.zeros((H,), dtype=jnp.float32)
    W3 = jax.random.normal(ks[4], (H, 1), dtype=jnp.float32) * (1.0 / np.sqrt(H))
    b3 = jnp.zeros((1,), dtype=jnp.float32)
    return {"x": x, "batch": batch, "W1": W1, "b1": b1, "W2": W2, "b2": b2, "W3": W3, "b3": b3}


def reference(x, batch, W1, b1, W2, b2, W3, b3):
    batch = batch.astype(jnp.int32)
    x = x.astype(jnp.float32)
    h = jax.nn.relu(x @ W1 + b1)
    h = jax.nn.relu(h @ W2 + b2)
    num_samples = NUM_SEG
    pooled = jax.ops.segment_sum(h, batch, num_segments=num_samples)
    counts = jnp.bincount(batch, length=num_samples)
    pooled = pooled / counts[:, None].astype(jnp.float32)
    weights = jnp.squeeze(pooled @ W3 + b3, axis=-1)
    weights = jax.nn.relu(weights)
    return weights[batch]

if __name__ == "__main__":
    import jax
    _d = setup_inputs()
    print(jax.jit(kernel)(*tuple(_d.values())))

</pallas_src>

<mosaic_0001>
#map = affine_map<(d0, d1) -> (0)>
module attributes {stable_mosaic.version = 14 : i64} {
  func.func @_sc_body(%arg0: i32, %arg1: i32, %arg2: memref<10240xf32, #tpu.memory_space<hbm>>, %arg3: memref<320000xi32, #tpu.memory_space<hbm>>, %arg4: memref<320000xf32, #tpu.memory_space<hbm>>, %arg5: memref<10240xf32, #tpu.memory_space<vmem>>, %arg6: memref<10000xi32, #tpu.memory_space<vmem>>, %arg7: memref<10000xf32, #tpu.memory_space<vmem>>) attributes {dimension_semantics = [#tpu.dimension_semantics<core_parallel>, #tpu.dimension_semantics<subcore_parallel>], iteration_bounds = array<i64: 2, 16>, scalar_prefetch = 0 : i64, scratch_operands = 3 : i64, tpu.core_type = #tpu.core_type<sc_vector_subcore>, window_params = [{transform_indices = #map}, {transform_indices = #map}, {transform_indices = #map}]} {
    %mul3A = arith.constant 2 : i32
    %mul3A_0 = arith.muli %arg1, %mul3A : i32
    %add3A = arith.addi %mul3A_0, %arg0 : i32
    %mul3A_1 = arith.constant 10000 : i32
    %mul3A_2 = arith.muli %add3A, %mul3A_1 : i32
    "tpu.region"() ({
      %run_scoped3A = tpu.sem_alloc : memref<!tpu.dma_semaphore, #tpu.memory_space<semaphore_mem>>
      tpu.enqueue_dma source(%arg2 : memref<10240xf32, #tpu.memory_space<hbm>>) target(%arg5 : memref<10240xf32, #tpu.memory_space<vmem>>) target_semaphore(%run_scoped3A : memref<!tpu.dma_semaphore, #tpu.memory_space<semaphore_mem>>)
      tpu.wait_dma2 semaphore(%run_scoped3A : memref<!tpu.dma_semaphore, #tpu.memory_space<semaphore_mem>>) src(%arg2 : memref<10240xf32, #tpu.memory_space<hbm>>) dst(%arg5 : memref<10240xf32, #tpu.memory_space<vmem>>)
      tpu.yield
    }) : () -> ()
    "tpu.region"() ({
      %run_scoped3A = tpu.sem_alloc : memref<!tpu.dma_semaphore, #tpu.memory_space<semaphore_mem>>
      %dma_start3A = tpu.memref_slice %arg3[%mul3A_2] : memref<320000xi32, #tpu.memory_space<hbm>> -> memref<10000xi32, #tpu.memory_space<hbm>>
      %dma_start3A_9 = tpu.memref_slice %arg3[%mul3A_2] : memref<320000xi32, #tpu.memory_space<hbm>> -> memref<10000xi32, #tpu.memory_space<hbm>>
      tpu.enqueue_dma source(%dma_start3A_9 : memref<10000xi32, #tpu.memory_space<hbm>>) target(%arg6 : memref<10000xi32, #tpu.memory_space<vmem>>) target_semaphore(%run_scoped3A : memref<!tpu.dma_semaphore, #tpu.memory_space<semaphore_mem>>)
      %dma_wait3A = tpu.memref_slice %arg3[%mul3A_2] : memref<320000xi32, #tpu.memory_space<hbm>> -> memref<10000xi32, #tpu.memory_space<hbm>>
      %dma_wait3A_10 = tpu.memref_slice %arg3[%mul3A_2] : memref<320000xi32, #tpu.memory_space<hbm>> -> memref<10000xi32, #tpu.memory_space<hbm>>
      tpu.wait_dma2 semaphore(%run_scoped3A : memref<!tpu.dma_semaphore, #tpu.memory_space<semaphore_mem>>) src(%dma_wait3A_10 : memref<10000xi32, #tpu.memory_space<hbm>>) dst(%arg6 : memref<10000xi32, #tpu.memory_space<vmem>>)
      tpu.yield
    }) : () -> ()
    %scan3A = arith.constant 0 : i32
    %scan3A_3 = arith.constant 0 : i32
    %scan3A_4 = arith.constant 625 : i32
    %scan3A_5 = arith.addi %scan3A_3, %scan3A_4 : i32
    %scan3A_6 = arith.constant 1 : i32
    %scan3A_7 = scf.for %scan3A_9 = %scan3A_3 to %scan3A_5 step %scan3A_6 iter_args(%scan3A_10 = %scan3A) -> (i32)  : i32 {
      %mul3A_11 = arith.constant 16 : i32
      %mul3A_12 = arith.muli %scan3A_9, %mul3A_11 : i32
      %get3A = arith.index_cast %mul3A_12 : i32 to index
      %get3A_13 = tpu.vector_load %arg6[%get3A] {strides = array<i32>} : memref<10000xi32, #tpu.memory_space<vmem>>, vector<16xi32>,
      %gather3A = tpu.vector_load_idx %arg5[%get3A_13] : memref<10240xf32, #tpu.memory_space<vmem>>[vector<16xi32>], vector<16xf32>,
      %mul3A_14 = arith.constant 16 : i32
      %mul3A_15 = arith.muli %scan3A_9, %mul3A_14 : i32
      %swap3A = arith.index_cast %mul3A_15 : i32 to index
      %swap3A_16 = tpu.vector_load %arg7[%swap3A] {strides = array<i32>} : memref<10000xf32, #tpu.memory_space<vmem>>, vector<16xf32>,
      tpu.vector_store %arg7[%swap3A], %gather3A {strides = array<i32>} : memref<10000xf32, #tpu.memory_space<vmem>>, vector<16xf32>,
      %scan3A_17 = arith.constant 0 : i32
      scf.yield %scan3A_17 : i32
    }
    %scan3A_8 = arith.constant 625 : i32
    "tpu.region"() ({
      %run_scoped3A = tpu.sem_alloc : memref<!tpu.dma_semaphore, #tpu.memory_space<semaphore_mem>>
      %dma_start3A = tpu.memref_slice %arg4[%mul3A_2] : memref<320000xf32, #tpu.memory_space<hbm>> -> memref<10000xf32, #tpu.memory_space<hbm>>
      %dma_start3A_9 = tpu.memref_slice %arg4[%mul3A_2] : memref<320000xf32, #tpu.memory_space<hbm>> -> memref<10000xf32, #tpu.memory_space<hbm>>
      tpu.enqueue_dma source(%arg7 : memref<10000xf32, #tpu.memory_space<vmem>>) target(%dma_start3A_9 : memref<10000xf32, #tpu.memory_space<hbm>>) target_semaphore(%run_scoped3A : memref<!tpu.dma_semaphore, #tpu.memory_space<semaphore_mem>>)
      %dma_wait3A = tpu.memref_slice %arg4[%mul3A_2] : memref<320000xf32, #tpu.memory_space<hbm>> -> memref<10000xf32, #tpu.memory_space<hbm>>
      %dma_wait3A_10 = tpu.memref_slice %arg4[%mul3A_2] : memref<320000xf32, #tpu.memory_space<hbm>> -> memref<10000xf32, #tpu.memory_space<hbm>>
      tpu.wait_dma2 semaphore(%run_scoped3A : memref<!tpu.dma_semaphore, #tpu.memory_space<semaphore_mem>>) src(%arg7 : memref<10000xf32, #tpu.memory_space<vmem>>) dst(%dma_wait3A_10 : memref<10000xf32, #tpu.memory_space<hbm>>)
      tpu.yield
    }) : () -> ()
    return
  }
}

module attributes {stable_mosaic.version = 14 : i64} {
  func.func @_finish_body(%arg0: memref<10240x128xf32, #tpu.memory_space<vmem>>, %arg1: memref<10240x1xf32, #tpu.memory_space<vmem>>, %arg2: memref<128x1xf32, #tpu.memory_space<vmem>>, %arg3: memref<1x1xf32, #tpu.memory_space<vmem>>, %arg4: memref<10240x1xf32, #tpu.memory_space<vmem>>) attributes {dimension_semantics = [], scalar_prefetch = 0 : i64, scratch_operands = 0 : i64, tpu.core_type = #tpu.core_type<tc>} {
    %get3A = arith.constant 0 : index
    %get3A_0 = arith.constant 0 : index
    %get3A_1 = vector.load %arg0[%get3A, %get3A_0] : memref<10240x128xf32, #tpu.memory_space<vmem>>, vector<10240x128xf32>
    %get3A_2 = arith.constant 0 : index
    %get3A_3 = arith.constant 0 : index
    %get3A_4 = vector.load %arg1[%get3A_2, %get3A_3] : memref<10240x1xf32, #tpu.memory_space<vmem>>, vector<10240x1xf32>
    %div3A = vector.broadcast %get3A_4 : vector<10240x1xf32> to vector<10240x128xf32>
    %div3A_5 = arith.divf %get3A_1, %div3A : vector<10240x128xf32>
    %get3A_6 = arith.constant 0 : index
    %get3A_7 = arith.constant 0 : index
    %get3A_8 = vector.load %arg2[%get3A_6, %get3A_7] : memref<128x1xf32, #tpu.memory_space<vmem>>, vector<128x1xf32>
    %dot_general3A = arith.constant dense<0.000000e+00> : vector<10240x1xf32>
    %dot_general3A_9 = tpu.matmul %div3A_5, %get3A_8, %dot_general3A {dimension_numbers = #tpu.dot_dimension_numbers<[1], [0], [0], [1], [0, 0, 1, 1], [], []>, transpose_lhs_hint = false} : vector<10240x128xf32>, vector<128x1xf32>, vector<10240x1xf32> -> vector<10240x1xf32>
    %get3A_10 = arith.constant 0 : index
    %get3A_11 = arith.constant 0 : index
    %get3A_12 = vector.load %arg3[%get3A_10, %get3A_11] : memref<1x1xf32, #tpu.memory_space<vmem>>, vector<1x1xf32>
    %add3A = vector.broadcast %get3A_12 : vector<1x1xf32> to vector<10240x1xf32>
    %add3A_13 = arith.addf %dot_general3A_9, %add3A : vector<10240x1xf32>
    %max3A = arith.constant 0.000000e+00 : f32
    %max3A_14 = vector.broadcast %max3A : f32 to vector<10240x1xf32>
    %max3A_15 = arith.maximumf %add3A_13, %max3A_14 : vector<10240x1xf32>
    %swap3A = arith.constant 0 : index
    %swap3A_16 = arith.constant 0 : index
    %swap3A_17 = vector.load %arg4[%swap3A, %swap3A_16] : memref<10240x1xf32, #tpu.memory_space<vmem>>, vector<10240x1xf32>
    tpu.vector_store %arg4[%swap3A, %swap3A_16], %max3A_15 {strides = array<i32>} : memref<10240x1xf32, #tpu.memory_space<vmem>>, vector<10240x1xf32>,
    return
  }
}

module attributes {stable_mosaic.version = 14 : i64} {
  func.func @_pool_body(%arg0: i32, %arg1: memref<80xi32, #tpu.memory_space<smem>>, %arg2: memref<80xi32, #tpu.memory_space<smem>>, %arg3: memref<1x1x4000xi32, #tpu.memory_space<vmem>>, %arg4: memref<4000x128xf32, #tpu.memory_space<vmem>>, %arg5: memref<128x128xf32, #tpu.memory_space<vmem>>, %arg6: memref<1x128xf32, #tpu.memory_space<vmem>>, %arg7: memref<128x128xf32, #tpu.memory_space<vmem>>, %arg8: memref<1x128xf32, #tpu.memory_space<vmem>>, %arg9: memref<10240x128xf32, #tpu.memory_space<vmem>>, %arg10: memref<10240x1xf32, #tpu.memory_space<vmem>>) attributes {dimension_semantics = [#tpu.dimension_semantics<arbitrary>], iteration_bounds = array<i64: 80>, scalar_prefetch = 0 : i64, scratch_operands = 0 : i64, tpu.core_type = #tpu.core_type<tc>, window_params = [{transform_indices = @transform_0, window_bounds = array<i64: 80>}, {transform_indices = @transform_1, window_bounds = array<i64: 80>}, {transform_indices = @transform_2, window_bounds = array<i64: 1, 1, 4000>}, {transform_indices = @transform_3, window_bounds = array<i64: 4000, 128>}, {pipeline_mode = #tpu.pipeline_mode<synchronous>, transform_indices = @transform_4, window_bounds = array<i64: 128, 128>}, {pipeline_mode = #tpu.pipeline_mode<synchronous>, transform_indices = @transform_5, window_bounds = array<i64: 1, 128>}, {pipeline_mode = #tpu.pipeline_mode<synchronous>, transform_indices = @transform_6, window_bounds = array<i64: 128, 128>}, {pipeline_mode = #tpu.pipeline_mode<synchronous>, transform_indices = @transform_7, window_bounds = array<i64: 1, 128>}, {pipeline_mode = #tpu.pipeline_mode<synchronous>, transform_indices = @transform_8, window_bounds = array<i64: 10240, 128>}, {pipeline_mode = #tpu.pipeline_mode<synchronous>, transform_indices = @transform_9, window_bounds = array<i64: 10240, 1>}]} {
    %eq3A = arith.constant 0 : i32
    %eq3A_0 = arith.cmpi eq, %arg0, %eq3A : i32
    %convert_element_type3A = arith.extui %eq3A_0 : i1 to i32
    %cond3A = arith.constant 0 : i32
    %cond3A_1 = arith.cmpi ne, %convert_element_type3A, %cond3A : i32
    scf.if %cond3A_1 {
      %broadcast_in_dim3A = arith.constant 0.000000e+00 : f32
      %broadcast_in_dim3A_93 = vector.broadcast %broadcast_in_dim3A : f32 to vector<10240x128xf32>
      %swap3A = arith.constant 0 : index
      %swap3A_94 = arith.constant 0 : index
      %swap3A_95 = vector.load %arg9[%swap3A, %swap3A_94] : memref<10240x128xf32, #tpu.memory_space<vmem>>, vector<10240x128xf32>
      tpu.vector_store %arg9[%swap3A, %swap3A_94], %broadcast_in_dim3A_93 {strides = array<i32>} : memref<10240x128xf32, #tpu.memory_space<vmem>>, vector<10240x128xf32>,
      %broadcast_in_dim3A_96 = arith.constant 0.000000e+00 : f32
      %broadcast_in_dim3A_97 = vector.broadcast %broadcast_in_dim3A_96 : f32 to vector<10240x1xf32>
      %swap3A_98 = arith.constant 0 : index
      %swap3A_99 = arith.constant 0 : index
      %swap3A_100 = vector.load %arg10[%swap3A_98, %swap3A_99] : memref<10240x1xf32, #tpu.memory_space<vmem>>, vector<10240x1xf32>
      tpu.vector_store %arg10[%swap3A_98, %swap3A_99], %broadcast_in_dim3A_97 {strides = array<i32>} : memref<10240x1xf32, #tpu.memory_space<vmem>>, vector<10240x1xf32>,
    } else {
    }
    %get3A = arith.constant 0 : index
    %get3A_2 = arith.constant 0 : index
    %get3A_3 = vector.load %arg4[%get3A, %get3A_2] : memref<4000x128xf32, #tpu.memory_space<vmem>>, vector<4000x128xf32>
    %get3A_4 = arith.constant 0 : index
    %get3A_5 = arith.constant 0 : index
    %get3A_6 = vector.load %arg5[%get3A_4, %get3A_5] : memref<128x128xf32, #tpu.memory_space<vmem>>, vector<128x128xf32>
    %dot_general3A = arith.constant dense<0.000000e+00> : vector<4000x128xf32>
    %dot_general3A_7 = tpu.matmul %get3A_3, %get3A_6, %dot_general3A {dimension_numbers = #tpu.dot_dimension_numbers<[1], [0], [0], [1], [0, 0, 1, 1], [], []>, transpose_lhs_hint = false} : vector<4000x128xf32>, vector<128x128xf32>, vector<4000x128xf32> -> vector<4000x128xf32>
    %get3A_8 = arith.constant 0 : index
    %get3A_9 = arith.constant 0 : index
    %get3A_10 = vector.load %arg6[%get3A_8, %get3A_9] : memref<1x128xf32, #tpu.memory_space<vmem>>, vector<1x128xf32>
    %add3A = vector.broadcast %get3A_10 : vector<1x128xf32> to vector<4000x128xf32>
    %add3A_11 = arith.addf %dot_general3A_7, %add3A : vector<4000x128xf32>
    %max3A = arith.constant 0.000000e+00 : f32
    %max3A_12 = vector.broadcast %max3A : f32 to vector<4000x128xf32>
    %max3A_13 = arith.maximumf %add3A_11, %max3A_12 : vector<4000x128xf32>
    %get3A_14 = arith.constant 0 : index
    %get3A_15 = arith.constant 0 : index
    %get3A_16 = vector.load %arg7[%get3A_14, %get3A_15] : memref<128x128xf32, #tpu.memory_space<vmem>>, vector<128x128xf32>
    %dot_general3A_17 = arith.constant dense<0.000000e+00> : vector<4000x128xf32>
    %dot_general3A_18 = tpu.matmul %max3A_13, %get3A_16, %dot_general3A_17 {dimension_numbers = #tpu.dot_dimension_numbers<[1], [0], [0], [1], [0, 0, 1, 1], [], []>, transpose_lhs_hint = false} : vector<4000x128xf32>, vector<128x128xf32>, vector<4000x128xf32> -> vector<4000x128xf32>
    %get3A_19 = arith.constant 0 : index
    %get3A_20 = arith.constant 0 : index
    %get3A_21 = vector.load %arg8[%get3A_19, %get3A_20] : memref<1x128xf32, #tpu.memory_space<vmem>>, vector<1x128xf32>
    %add3A_22 = vector.broadcast %get3A_21 : vector<1x128xf32> to vector<4000x128xf32>
    %add3A_23 = arith.addf %dot_general3A_18, %add3A_22 : vector<4000x128xf32>
    %max3A_24 = arith.constant 0.000000e+00 : f32
    %max3A_25 = vector.broadcast %max3A_24 : f32 to vector<4000x128xf32>
    %max3A_26 = arith.maximumf %add3A_23, %max3A_25 : vector<4000x128xf32>
    %convert_element_type3A_27 = arith.truncf %max3A_26 : vector<4000x128xf32> to vector<4000x128xbf16>
    %convert_element_type3A_28 = arith.extf %convert_element_type3A_27 : vector<4000x128xbf16> to vector<4000x128xf32>
    %sub3A = arith.subf %max3A_26, %convert_element_type3A_28 : vector<4000x128xf32>
    %concatenate3A = tpu.concatenate %convert_element_type3A_28, %sub3A in 1 : vector<4000x128xf32>, vector<4000x128xf32> -> vector<4000x256xf32>
    %get3A_29 = arith.constant 0 : index
    %get3A_30 = arith.constant 0 : index
    %get3A_31 = arith.constant 0 : index
    %get3A_32 = vector.load %arg3[%get3A_29, %get3A_30, %get3A_31] : memref<1x1x4000xi32, #tpu.memory_space<vmem>>, vector<1x1x4000xi32>
    %get3A_33 = vector.shape_cast %get3A_32 : vector<1x1x4000xi32> to vector<1x4000xi32>
    %get3A_34 = arith.index_cast %arg0 : i32 to index
    %get3A_35 = memref.load %arg1[%get3A_34] : memref<80xi32, #tpu.memory_space<smem>>
    %jit3A = arith.constant 128 : i32
    %div3A = arith.divsi %get3A_35, %jit3A : i32
    %sign3A = arith.constant 0 : i32
    %sign3A_36 = arith.cmpi sgt, %get3A_35, %sign3A : i32
    %sign3A_37 = arith.extui %sign3A_36 : i1 to i32
    %sign3A_38 = arith.constant 0 : i32
    %sign3A_39 = arith.cmpi slt, %get3A_35, %sign3A_38 : i32
    %sign3A_40 = arith.extui %sign3A_39 : i1 to i32
    %sign3A_41 = arith.subi %sign3A_37, %sign3A_40 : i32
    %sign3A_42 = arith.constant 0 : i32
    %sign3A_43 = arith.cmpi sgt, %jit3A, %sign3A_42 : i32
    %sign3A_44 = arith.extui %sign3A_43 : i1 to i32
    %sign3A_45 = arith.constant 0 : i32
    %sign3A_46 = arith.cmpi slt, %jit3A, %sign3A_45 : i32
    %sign3A_47 = arith.extui %sign3A_46 : i1 to i32
    %sign3A_48 = arith.subi %sign3A_44, %sign3A_47 : i32
    %ne3A = arith.cmpi ne, %sign3A_41, %sign3A_48 : i32
    %rem3A = arith.remsi %get3A_35, %jit3A : i32
    %ne3A_49 = arith.constant 0 : i32
    %ne3A_50 = arith.cmpi ne, %rem3A, %ne3A_49 : i32
    %and3A = arith.andi %ne3A, %ne3A_50 : i1
    %sub3A_51 = arith.constant 1 : i32
    %sub3A_52 = arith.subi %div3A, %sub3A_51 : i32
    %select_n3A = arith.select %and3A, %sub3A_52, %div3A : i32
    %get3A_53 = arith.index_cast %arg0 : i32 to index
    %get3A_54 = memref.load %arg2[%get3A_53] : memref<80xi32, #tpu.memory_space<smem>>
    %jit3A_55 = arith.constant 128 : i32
    %div3A_56 = arith.divsi %get3A_54, %jit3A_55 : i32
    %sign3A_57 = arith.constant 0 : i32
    %sign3A_58 = arith.cmpi sgt, %get3A_54, %sign3A_57 : i32
    %sign3A_59 = arith.extui %sign3A_58 : i1 to i32
    %sign3A_60 = arith.constant 0 : i32
    %sign3A_61 = arith.cmpi slt, %get3A_54, %sign3A_60 : i32
    %sign3A_62 = arith.extui %sign3A_61 : i1 to i32
    %sign3A_63 = arith.subi %sign3A_59, %sign3A_62 : i32
    %sign3A_64 = arith.constant 0 : i32
    %sign3A_65 = arith.cmpi sgt, %jit3A_55, %sign3A_64 : i32
    %sign3A_66 = arith.extui %sign3A_65 : i1 to i32
    %sign3A_67 = arith.constant 0 : i32
    %sign3A_68 = arith.cmpi slt, %jit3A_55, %sign3A_67 : i32
    %sign3A_69 = arith.extui %sign3A_68 : i1 to i32
    %sign3A_70 = arith.subi %sign3A_66, %sign3A_69 : i32
    %ne3A_71 = arith.cmpi ne, %sign3A_63, %sign3A_70 : i32
    %rem3A_72 = arith.remsi %get3A_54, %jit3A_55 : i32
    %ne3A_73 = arith.constant 0 : i32
    %ne3A_74 = arith.cmpi ne, %rem3A_72, %ne3A_73 : i32
    %and3A_75 = arith.andi %ne3A_71, %ne3A_74 : i1
    %sub3A_76 = arith.constant 1 : i32
    %sub3A_77 = arith.subi %div3A_56, %sub3A_76 : i32
    %select_n3A_78 = arith.select %and3A_75, %sub3A_77, %div3A_56 : i32
    %sub3A_79 = arith.subi %select_n3A_78, %select_n3A : i32
    %add3A_80 = arith.constant 1 : i32
    %add3A_81 = arith.addi %sub3A_79, %add3A_80 : i32
    %while3A = arith.constant 0 : i32
    %while3A_82 = arith.constant 0 : i32
    %while3A_83 = arith.subi %add3A_81, %while3A : i32
    %while3A_84 = arith.addi %while3A, %while3A_83 : i32
    %while3A_85 = arith.constant 1 : i32
    %while3A_86 = arith.divsi %while3A_83, %while3A_85 : i32
    %while3A_87 = arith.muli %while3A_86, %while3A_85 : i32
    %while3A_88 = arith.addi %while3A, %while3A_87 : i32
    %while3A_89 = arith.constant 1 : i32
    %while3A_90 = scf.for %while3A_93 = %while3A to %while3A_88 step %while3A_89 iter_args(%while3A_94 = %while3A_82) -> (i32)  : i32 {
      %add3A_95 = arith.addi %select_n3A, %while3A_93 : i32
      %mul3A = arith.constant 128 : i32
      %mul3A_96 = arith.muli %add3A_95, %mul3A : i32
      %multiple_of3A = tpu.assume_multiple %mul3A_96, 128 : i32
      %iota3A = tpu.iota {dimensions = array<i32: 0>} : vector<128x4000xi32>
      %add3A_97 = vector.broadcast %multiple_of3A : i32 to vector<128x4000xi32>
      %add3A_98 = arith.addi %iota3A, %add3A_97 : vector<128x4000xi32>
      %eq3A_99 = vector.broadcast %get3A_33 : vector<1x4000xi32> to vector<128x4000xi32>
      %eq3A_100 = arith.cmpi eq, %add3A_98, %eq3A_99 : vector<128x4000xi32>
      %convert_element_type3A_101 = arith.extui %eq3A_100 : vector<128x4000xi1> to vector<128x4000xi32>
      %convert_element_type3A_102 = arith.sitofp %convert_element_type3A_101 : vector<128x4000xi32> to vector<128x4000xf32>
      %dot_general3A_103 = arith.constant dense<0.000000e+00> : vector<128x256xf32>
      %dot_general3A_104 = tpu.matmul %convert_element_type3A_102, %concatenate3A, %dot_general3A_103 {dimension_numbers = #tpu.dot_dimension_numbers<[1], [0], [0], [1], [0, 0, 1, 1], [], []>, transpose_lhs_hint = false} : vector<128x4000xf32>, vector<4000x256xf32>, vector<128x256xf32> -> vector<128x256xf32>
      %slice3A = vector.extract_strided_slice %dot_general3A_104 {offsets = [0, 0], sizes = [128, 128], strides = [1, 1]} : vector<128x256xf32> to vector<128x128xf32>
      %slice3A_105 = vector.extract_strided_slice %dot_general3A_104 {offsets = [0, 128], sizes = [128, 128], strides = [1, 1]} : vector<128x256xf32> to vector<128x128xf32>
      %add3A_106 = arith.addf %slice3A, %slice3A_105 : vector<128x128xf32>
      %get3A_107 = arith.index_cast %multiple_of3A : i32 to index
      %get3A_108 = arith.constant 0 : index
      %get3A_109 = vector.load %arg9[%get3A_107, %get3A_108] : memref<10240x128xf32, #tpu.memory_space<vmem>>, vector<128x128xf32>
      %add3A_110 = arith.addf %get3A_109, %add3A_106 : vector<128x128xf32>
      %swap3A = arith.index_cast %multiple_of3A : i32 to index
      %swap3A_111 = arith.constant 0 : index
      %swap3A_112 = vector.load %arg9[%swap3A, %swap3A_111] : memref<10240x128xf32, #tpu.memory_space<vmem>>, vector<128x128xf32>
      tpu.vector_store %arg9[%swap3A, %swap3A_111], %add3A_110 {strides = array<i32>} : memref<10240x128xf32, #tpu.memory_space<vmem>>, vector<128x128xf32>,
      %get3A_113 = arith.index_cast %multiple_of3A : i32 to index
      %get3A_114 = arith.constant 0 : index
      %get3A_115 = vector.load %arg10[%get3A_113, %get3A_114] : memref<10240x1xf32, #tpu.memory_space<vmem>>, vector<128x1xf32>
      %reduce_sum3A = arith.constant dense<0.000000e+00> : vector<128xf32>
      %reduce_sum3A_116 = vector.multi_reduction <add>, %convert_element_type3A_102, %reduce_sum3A [1] : vector<128x4000xf32> to vector<128xf32>
      %broadcast_in_dim3A = vector.shape_cast %reduce_sum3A_116 : vector<128xf32> to vector<128x1xf32>
      %add3A_117 = arith.addf %get3A_115, %broadcast_in_dim3A : vector<128x1xf32>
      %swap3A_118 = arith.index_cast %multiple_of3A : i32 to index
      %swap3A_119 = arith.constant 0 : index
      %swap3A_120 = vector.load %arg10[%swap3A_118, %swap3A_119] : memref<10240x1xf32, #tpu.memory_space<vmem>>, vector<128x1xf32>
      tpu.vector_store %arg10[%swap3A_118, %swap3A_119], %add3A_117 {strides = array<i32>} : memref<10240x1xf32, #tpu.memory_space<vmem>>, vector<128x1xf32>,
      %while3A_121 = arith.constant 0 : i32
      scf.yield %while3A_121 : i32
    }
    %while3A_91 = arith.constant 1 : i32
    %while3A_92 = scf.for %while3A_93 = %while3A_88 to %while3A_84 step %while3A_91 iter_args(%while3A_94 = %while3A_90) -> (i32)  : i32 {
      %add3A_95 = arith.addi %select_n3A, %while3A_93 : i32
      %mul3A = arith.constant 128 : i32
      %mul3A_96 = arith.muli %add3A_95, %mul3A : i32
      %multiple_of3A = tpu.assume_multiple %mul3A_96, 128 : i32
      %iota3A = tpu.iota {dimensions = array<i32: 0>} : vector<128x4000xi32>
      %add3A_97 = vector.broadcast %multiple_of3A : i32 to vector<128x4000xi32>
      %add3A_98 = arith.addi %iota3A, %add3A_97 : vector<128x4000xi32>
      %eq3A_99 = vector.broadcast %get3A_33 : vector<1x4000xi32> to vector<128x4000xi32>
      %eq3A_100 = arith.cmpi eq, %add3A_98, %eq3A_99 : vector<128x4000xi32>
      %convert_element_type3A_101 = arith.extui %eq3A_100 : vector<128x4000xi1> to vector<128x4000xi32>
      %convert_element_type3A_102 = arith.sitofp %convert_element_type3A_101 : vector<128x4000xi32> to vector<128x4000xf32>
      %dot_general3A_103 = arith.constant dense<0.000000e+00> : vector<128x256xf32>
      %dot_general3A_104 = tpu.matmul %convert_element_type3A_102, %concatenate3A, %dot_general3A_103 {dimension_numbers = #tpu.dot_dimension_numbers<[1], [0], [0], [1], [0, 0, 1, 1], [], []>, transpose_lhs_hint = false} : vector<128x4000xf32>, vector<4000x256xf32>, vector<128x256xf32> -> vector<128x256xf32>
      %slice3A = vector.extract_strided_slice %dot_general3A_104 {offsets = [0, 0], sizes = [128, 128], strides = [1, 1]} : vector<128x256xf32> to vector<128x128xf32>
      %slice3A_105 = vector.extract_strided_slice %dot_general3A_104 {offsets = [0, 128], sizes = [128, 128], strides = [1, 1]} : vector<128x256xf32> to vector<128x128xf32>
      %add3A_106 = arith.addf %slice3A, %slice3A_105 : vector<128x128xf32>
      %get3A_107 = arith.index_cast %multiple_of3A : i32 to index
      %get3A_108 = arith.constant 0 : index
      %get3A_109 = vector.load %arg9[%get3A_107, %get3A_108] : memref<10240x128xf32, #tpu.memory_space<vmem>>, vector<128x128xf32>
      %add3A_110 = arith.addf %get3A_109, %add3A_106 : vector<128x128xf32>
      %swap3A = arith.index_cast %multiple_of3A : i32 to index
      %swap3A_111 = arith.constant 0 : index
      %swap3A_112 = vector.load %arg9[%swap3A, %swap3A_111] : memref<10240x128xf32, #tpu.memory_space<vmem>>, vector<128x128xf32>
      tpu.vector_store %arg9[%swap3A, %swap3A_111], %add3A_110 {strides = array<i32>} : memref<10240x128xf32, #tpu.memory_space<vmem>>, vector<128x128xf32>,
      %get3A_113 = arith.index_cast %multiple_of3A : i32 to index
      %get3A_114 = arith.constant 0 : index
      %get3A_115 = vector.load %arg10[%get3A_113, %get3A_114] : memref<10240x1xf32, #tpu.memory_space<vmem>>, vector<128x1xf32>
      %reduce_sum3A = arith.constant dense<0.000000e+00> : vector<128xf32>
      %reduce_sum3A_116 = vector.multi_reduction <add>, %convert_element_type3A_102, %reduce_sum3A [1] : vector<128x4000xf32> to vector<128xf32>
      %broadcast_in_dim3A = vector.shape_cast %reduce_sum3A_116 : vector<128xf32> to vector<128x1xf32>
      %add3A_117 = arith.addf %get3A_115, %broadcast_in_dim3A : vector<128x1xf32>
      %swap3A_118 = arith.index_cast %multiple_of3A : i32 to index
      %swap3A_119 = arith.constant 0 : index
      %swap3A_120 = vector.load %arg10[%swap3A_118, %swap3A_119] : memref<10240x1xf32, #tpu.memory_space<vmem>>, vector<128x1xf32>
      tpu.vector_store %arg10[%swap3A_118, %swap3A_119], %add3A_117 {strides = array<i32>} : memref<10240x1xf32, #tpu.memory_space<vmem>>, vector<128x1xf32>,
      %while3A_121 = arith.constant 0 : i32
      scf.yield %while3A_121 : i32
    }
    return
  }
  func.func @transform_0(%arg0: i32) -> i32 {
    %c0_i32 = arith.constant 0 : i32
    %c0_i32_0 = arith.constant 0 : i32
    return %c0_i32 : i32
  }
  func.func @transform_1(%arg0: i32) -> i32 {
    %c0_i32 = arith.constant 0 : i32
    %c0_i32_0 = arith.constant 0 : i32
    return %c0_i32 : i32
  }
  func.func @transform_2(%arg0: i32) -> (i32, i32, i32) {
    %c0_i32 = arith.constant 0 : i32
    %c0_i32_0 = arith.constant 0 : i32
    %c0_i32_1 = arith.constant 0 : i32
    return %arg0, %c0_i32, %c0_i32_0 : i32, i32, i32
  }
  func.func @transform_3(%arg0: i32) -> (i32, i32) {
    %c0_i32 = arith.constant 0 : i32
    %c0_i32_0 = arith.constant 0 : i32
    return %arg0, %c0_i32 : i32, i32
  }
  func.func @transform_4(%arg0: i32) -> (i32, i32) {
    %c0_i32 = arith.constant 0 : i32
    %c0_i32_0 = arith.constant 0 : i32
    %c0_i32_1 = arith.constant 0 : i32
    return %c0_i32, %c0_i32_0 : i32, i32
  }
  func.func @transform_5(%arg0: i32) -> (i32, i32) {
    %c0_i32 = arith.constant 0 : i32
    %c0_i32_0 = arith.constant 0 : i32
    %c0_i32_1 = arith.constant 0 : i32
    return %c0_i32, %c0_i32_0 : i32, i32
  }
  func.func @transform_6(%arg0: i32) -> (i32, i32) {
    %c0_i32 = arith.constant 0 : i32
    %c0_i32_0 = arith.constant 0 : i32
    %c0_i32_1 = arith.constant 0 : i32
    return %c0_i32, %c0_i32_0 : i32, i32
  }
  func.func @transform_7(%arg0: i32) -> (i32, i32) {
    %c0_i32 = arith.constant 0 : i32
    %c0_i32_0 = arith.constant 0 : i32
    %c0_i32_1 = arith.constant 0 : i32
    return %c0_i32, %c0_i32_0 : i32, i32
  }
  func.func @transform_8(%arg0: i32) -> (i32, i32) {
    %c0_i32 = arith.constant 0 : i32
    %c0_i32_0 = arith.constant 0 : i32
    %c0_i32_1 = arith.constant 0 : i32
    return %c0_i32, %c0_i32_0 : i32, i32
  }
  func.func @transform_9(%arg0: i32) -> (i32, i32) {
    %c0_i32 = arith.constant 0 : i32
    %c0_i32_0 = arith.constant 0 : i32
    %c0_i32_1 = arith.constant 0 : i32
    return %c0_i32, %c0_i32_0 : i32, i32
  }
}

</mosaic_0001>

<sc_bundles>
// kernel: kernel.5.cloned.1.call-start
scs
__scs_entry_jumppad:
0x0: {  	(pc) =	sbr.rel $0x88, $3  }
0x1: {  	(tag) =	ssettag $0x0;
	lr =	simm.s32 $0x1  }
0x2: {  	[smem:$0x3F99] =	sst lr;
	_ =	strace $0xD0000000  }
0x3: {  	_ = 	snop  }
0x4: {  	_ = 	snop  }
0x5: {  	_ = 	snop  }
0x6: {  	_ = 	snop  }
0x7: {  	_ = 	snop  }
__scs_overlays_trampoline_lowered:
0x8: {  	[smem:$0x3FA8] =	sst s0  }
0x9: {  	[smem:$0x3FA9] =	sst s1  }
0xa: {  	[smem:$0x3FAA] =	sst s2  }
0xb: {  	[smem:$0x3FAB] =	sst s3  }
0xc: {  	[smem:$0x3FAC] =	sst s4  }
0xd: {  	[smem:$0x3FAD] =	sst s5  }
0xe: {  	[smem:$0x3FAE] =	sst s6  }
0xf: {  	[smem:$0x3FAF] =	sst s7  }
0x10: {  	[smem:$0x3FB0] =	sst s8  }
0x11: {  	[smem:$0x3FB1] =	sst s9;
	s0 =	simm.s32 @!p0 $0x0  }
0x12: {  	s1 =	sld [smem:$0x3F97];
	s0 =	simm.s32 @p0 $0x1  }
0x13: {  	[smem:$0x3FB2] =	sst s0;
	s0 =	simm.s32 @!p1 $0x0  }
0x14: {  	s2 =	sld [smem:$0x3F96];
	s0 =	simm.s32 @p1 $0x1  }
0x15: {  	[smem:$0x3FB3] =	sst s0;
	s0 =	simm.s32 @!p2 $0x0  }
0x16: {  	s3 =	sld [smem:$0x3FDB];
	s0 =	simm.s32 @p2 $0x1  }
0x17: {  	s4 =	simm.s32 $0x1BF5;
	[smem:$0x3FB5] =	sst s0  }
0x18: {  	s0 =	sld [smem:$0x3F98];
	_ =	swait.ge [sflag:s4], $0x0  }
0x19: {  	s7 =	sld [smem:$0x3F99]  }
0x1a: {  	s8 =	sadd.s32 $0xFFFFE003, lr  }
0x1b: {  	s9 =	sadd.s32 $0xFFFFFEF7, lr;
	s5 =	simm.s32 $0xFFFFFFFF;
	p2 =	slt.u32 s8, $0xFFFFF086  }
0x1c: {  	p1 =	slt.u32 s9, $0xF7A;
	s5 =	simm.s32 @!p2 $0x0  }
0x1d: {  	s5 =	simm.s32 @p1 $0x1;
	p0 =	seq.s32 s7, s2  }
0x1e: {  	s7 =	smul.u32 @!p0 $0xF7A, s2;
	p2 =	seq.s32 @!p0 s5, $0x0  }
0x1f: {  	s9 =	smul.u32 $0xF7A, s1;
	s8 =	simm.s32 @!p0 $0x1BF5;
	p2 =	por !p2, p0  }
0x20: {  	[sflag:s8] =	ssyncset.s32 @!p0 $0xFFFFF086;
	s6 =	sadd.s32 @!p0 s3, s7;
	s7 =	simm.s32 @!p0 $0x108  }
0x21: {  	s3 =	sadd.s32 s3, s9;
	s6 =	sadd.s32 @!p0 $0x88, s6;
	s7 =	simm.s32 @p2 $0x1082  }
0x22: {  	[simem:s7], [sflag:s8] =	dma.local @!p0 [hbm:s6], $0xF7A  }
0x23: {  	s9 =	sor.u32 $0xD0000000, s2;
	s6 =	simm.s32 $0x108;
	_ =	swait.ge @!p0 [sflag:s8], $0x0  }
0x24: {  	s3 =	sadd.s32 $0x88, s3;
	s6 =	simm.s32 @!p1 $0x1082;
	[sflag:s4] =	ssyncset.s32 $0xFFFFF086  }
0x25: {  	[simem:s6], [sflag:s4] =	dma.local [hbm:s3], $0xF7A  }
0x26: {  	[smem:$0x3F99] =	sst s1;
	(tag) =	ssettag s2;
	_ =	strace s9  }
0x27: {  	s1 =	sld [smem:$0x3FA9]  }
0x28: {  	s2 =	sld [smem:$0x3FAA]  }
0x29: {  	s4 =	sld [smem:$0x3FAC]  }
0x2a: {  	p0 =	seq.s32 s5, $0x0;
	s5 =	sld [smem:$0x3FAD]  }
0x2b: {  	s6 =	sld [smem:$0x3FAE]  }
0x2c: {  	s7 =	sld [smem:$0x3FAF]  }
0x2d: {  	s3 =	simm.s32 $0x108;
	s8 =	sld [smem:$0x3FB0]  }
0x2e: {  	s3 =	simm.s32 @!p0 $0x1082;
	s9 =	sld [smem:$0x3FB1]  }
0x2f: {  	lr =	sadd.s32 s0, s3;
	s0 =	sld [smem:$0x3FA8]  }
0x30: {  	s3 =	sld [smem:$0x3FAB]  }
0x31: {  	[smem:$0x3FB4] =	sst s10  }
0x32: {  	s10 =	sld [smem:$0x3FB2];
	_ =	sdelay $0x3  }
0x33: {  	p0 =	seq.s32 s10, $0x1;
	s10 =	sld [smem:$0x3FB4];
	_ =	sdelay $0x3  }
0x34: {  	[smem:$0x3FB4] =	sst s10  }
0x35: {  	s10 =	sld [smem:$0x3FB3];
	_ =	sdelay $0x3  }
0x36: {  	p1 =	seq.s32 s10, $0x1;
	s10 =	sld [smem:$0x3FB4];
	_ =	sdelay $0x3  }
0x37: {  	[smem:$0x3FB4] =	sst s10  }
0x38: {  	s10 =	sld [smem:$0x3FB5]  }
0x39: {  	_ = 	snop;
	(pc) =	sbr.ind lr, $3  }
0x3a: {  	_ = 	snop  }
0x3b: {  	_ = 	snop  }
0x3c: {  	p2 =	seq.s32 s10, $0x1;
	s10 =	sld [smem:$0x3FB4]  }
0x3d: {  	_ =	shalt  }
0x3e: {  	_ =	shalt  }
0x3f: {  	_ =	shalt  }
0x40: {  	_ =	shalt  }
0x41: {  	_ =	shalt  }
0x42: {  	_ =	shalt  }
0x43: {  	_ =	shalt  }
0x44: {  	_ =	shalt  }
0x45: {  	_ =	shalt  }
0x46: {  	_ =	shalt  }
0x47: {  	_ =	shalt  }
0x48: {  	_ =	shalt  }
0x49: {  	_ =	shalt  }
0x4a: {  	_ =	shalt  }
0x4b: {  	_ =	shalt  }
0x4c: {  	_ =	shalt  }
0x4d: {  	_ =	shalt  }
0x4e: {  	_ =	shalt  }
0x4f: {  	_ =	shalt  }
0x50: {  	_ =	shalt  }
0x51: {  	_ =	shalt  }
0x52: {  	_ =	shalt  }
0x53: {  	_ =	shalt  }
0x54: {  	_ =	shalt  }
0x55: {  	_ =	shalt  }
0x56: {  	_ =	shalt  }
0x57: {  	_ =	shalt  }
0x58: {  	_ =	shalt  }
0x59: {  	_ =	shalt  }
0x5a: {  	_ =	shalt  }
0x5b: {  	_ =	shalt  }
0x5c: {  	_ =	shalt  }
0x5d: {  	_ =	shalt  }
0x5e: {  	_ =	shalt  }
0x5f: {  	_ =	shalt  }
0x60: {  	_ =	shalt  }
0x61: {  	_ =	shalt  }
0x62: {  	_ =	shalt  }
0x63: {  	_ =	shalt  }
0x64: {  	_ =	shalt  }
0x65: {  	_ =	shalt  }
0x66: {  	_ =	shalt  }
0x67: {  	_ =	shalt  }
0x68: {  	_ =	shalt  }
0x69: {  	_ =	shalt  }
0x6a: {  	_ =	shalt  }
0x6b: {  	_ =	shalt  }
0x6c: {  	_ =	shalt  }
0x6d: {  	_ =	shalt  }
0x6e: {  	_ =	shalt  }
0x6f: {  	_ =	shalt  }
0x70: {  	_ =	shalt  }
0x71: {  	_ =	shalt  }
0x72: {  	_ =	shalt  }
0x73: {  	_ =	shalt  }
0x74: {  	_ =	shalt  }
0x75: {  	_ =	shalt  }
0x76: {  	_ =	shalt  }
0x77: {  	_ =	shalt  }
0x78: {  	_ =	shalt  }
0x79: {  	_ =	shalt  }
0x7a: {  	_ =	shalt  }
0x7b: {  	_ =	shalt  }
0x7c: {  	_ =	shalt  }
0x7d: {  	_ =	shalt  }
0x7e: {  	_ =	shalt  }
0x7f: {  	_ =	shalt  }
0x80: {  	_ =	shalt  }
0x81: {  	_ =	shalt  }
0x82: {  	_ =	shalt  }
0x83: {  	_ =	shalt  }
0x84: {  	_ =	shalt  }
0x85: {  	_ =	shalt  }
0x86: {  	_ =	shalt  }
0x87: {  	_ =	shalt  }
.Lfunc_end0:
.L_simem_size_0:
called_computation_lowered:
.L_overlay_start_0:
0x88: {  	s2 =	sld [smem:$0x3FD9]  }
0x89: {  	s3 =	sld [smem:$0x3FFE];
	_ =	sdelay $0x1  }
0x8a: {  	s1 =	srdreg.scid  }
0x8b: {  	s0 =	sand.u32 $0x1, s1  }
0x8c: {  	s17 =	sshll.u32 s0, $0xA;
	s2 =	sadd.s32 s3, s2  }
0x8d: {  	s2 =	sadd.s32 s2, s17  }
0x8e: {  	[smem:$0x3FC0] =	sst s2  }
0x8f: {  	_ = 	snop  }
0x90: {  	s2 =	sld [smem:$0x3FC8]  }
0x91: {  	s18 =	sld [smem:$0x3FD0];
	(tm) =	ssettm $0x1  }
0x92: {  	s4 =	sld [smem:$0x3FFB];
	_ =	sdelay $0x3  }
0x93: {  	_ =	strace s4  }
0x94: {  	s4 =	sld [smem:$0x3FFC];
	_ =	sdelay $0x3  }
0x95: {  	_ =	strace s4  }
0x96: {  	s4 =	sld [smem:$0x3FFD];
	_ =	sdelay $0x3  }
0x97: {  	_ =	strace s4  }
0x98: {  	_ =	strace $0x8FFFFFFF  }
0x99: {  	s19 =	sld [smem:$0x3FDB];
	_ =	sdelay $0x1  }
0x9a: {  	s5 =	simm.s32 $_scs_section_size  }
0x9b: {  	s6 =	simm.s32 $_size__tile_overlayer_lowered;
	s7 =	simm.s32 $_tile_overlayer_lowered  }
0x9c: {  	s22 =	simm.s32 $0x1BFF;
	s21 =	sshll.u32 s7, $0x1;
	s4 =	sadd.s32 s5, s19  }
0x9d: {  	s8 =	simm.s32 $0x0;
	s20 =	sshll.u32 s6, $0x1;
	s6 =	sadd.s32 s21, s4  }
0x9e: {  	[timem:s8], [sflag:s22] =	dma.local [hbm:s6], s20  }
0x9f: {  	_ =	swait.ge [sflag:s22], s20  }
0xa0: {  	s5 =	ssub.s32 $0x0, s20;
	[sflag:s22] =	ssyncset.done $0x0  }
0xa1: {  	[sflag:s22] =	ssyncadd.s32 s5;
	_ =	sdelay $0x1  }
0xa2: {  	s23 =	simm.s32 $0x1B8B  }
0xa3: {  	_ =	swait.ge [sflag:s23], $0x1  }
0xa4: {  	[sflag:s23] =	ssyncset.done $0x0  }
0xa5: {  	s25 =	simm.s32 $0x1B8E;
	s24 =	sld [smem:$0x3FFE];
	[sflag:s23] =	ssyncadd.s32 $0xFFFFFFFF  }
0xa6: {  	s26 =	simm.s32 $execute0_lowered;
	[smem:$0x3FD2] =	sst s25  }
0xa7: {  	s6 =	sshll.u32 s26, $0x1;
	_ =	strace $0x80000046;
	[dreg:$0x1] =	wrdreg $0xFFFFFFFF  }
0xa8: {  	s28 =	simm.s32 $_size_execute0_lowered;
	s4 =	sadd.s32 s4, s6;
	[dreg:$0x0] =	wrdreg $0x0  }
0xa9: {  	s6 =	sshll.u32 s28, $0x1;
	[dreg:$0x2] =	wrdreg s4  }
0xaa: {  	[dreg:$0x3] =	wrdreg s6  }
0xab: {  	[dreg:$0x4] =	wrdreg $0xC0  }
0xac: {  	_ =	task [dreg:s8], $0x5FFFF  }
0xad: {  	[dreg:$0x1] =	wrdreg $0xFFFFFFFF  }
0xae: {  	[dreg:$0x0] =	wrdreg $0x60  }
0xaf: {  	[dreg:$0x2] =	wrdreg s24  }
0xb0: {  	[dreg:$0x3] =	wrdreg s2  }
0xb1: {  	[dreg:$0x4] =	wrdreg s18  }
0xb2: {  	[dreg:$0x5] =	wrdreg $0x9  }
0xb3: {  	_ =	task.clear_ibuf [dreg:s8], $0x6FFFF;
	_ =	strace $0x90000046  }
0xb4: {  	s29 =	simm.s32 $0x9;
	_ =	strace $0x80000048  }
0xb5: {  	_ =	swait.ge [sflag:s29], $0x1  }
0xb6: {  	[sflag:s29] =	ssyncadd.s32 $0xFFFFFFFF  }
0xb7: {  	_ =	strace $0x90000048  }
0xb8: {  	_ =	sfence  }
0xb9: {  	s30 =	sld [smem:$0x0];
	_ =	sdelay $0x2  }
0xba: {  	s31 =	sshll.u32 s1, $0xD;
	s1 =	sshrl.u32 s1, $0x2  }
0xbb: {  	s3 =	sand.u32 $0x4000, s31;
	s1 =	sadd.s32 s1, s30  }
0xbc: {  	s0 =	sor.u32 s3, s0;
	s1 =	sshll.u32 s1, $0x11  }
0xbd: {  	s0 =	sor.u32 s1, s0  }
0xbe: {  	s0 =	sadd.s32 $0x8F2B, s0  }
0xbf: {  	[sflag:s0] =	ssyncadd.remote.s32 $0x1  }
0xc0: {  	_ =	sfence.sel $0xFFFF  }
0xc1: {  	[dreg:$0x0] =	wrdreg $0xFFFFFFFF;
	(pc) =	sbr.abs _section_cstart, $3  }
0xc2: {  	[dreg:$0x1] =	wrdreg $0xFFFFFFFF  }
0xc3: {  	_ =	task.clear_ibuf [dreg:s8], $0x2FFFF;
	_ =	strace $0x9FFFFFFF  }
0xc4: {  	(tm) =	ssettm $0x7FFFFFFF  }
0xc5: {  	_ =	shalt  }
tec
execute0_lowered:
.L_overlay_start_1:
0x0: {  	(tag) =	ssettag $0x1  }
0x1: {  	s3 =	rddreg [dreg:$0x0]  }
0x2: {  	s4 =	rddreg [dreg:$0x1];
	s1 =	srdreg.scid  }
0x3: {  	s0 =	stileid.u32;
	s5 =	rddreg [dreg:$0x2];
	s2 =	simm.s32 $0x0  }
0x4: {  	s9 =	simm.s32 $0x4F80;
	s6 =	sand.u32 $0x1, s1;
	s7 =	sshll.u32 s0, $0x1  }
0x5: {  	s10 =	simm.s32 $0x0;
	s1 =	rddreg [dreg:$0x3];
	s7 =	sor.u32 s6, s7  }
0x6: {  	[smem:$0x7FF] =	sst s2;
	s6 =	ssub.s32 $0x2, s6;
	s7 =	smul.u32 $0x4E2, s7  }
0x7: {  	s3 =	sadd.s32 $0xA00, s3;
	_ =	strace $0x80000047;
	s8 =	sshrl.u32 s6, $0x1  }
0x8: {  	s6 =	ssub.s32 s6, s8;
	s8 =	simm.s32 $0x2800;
	s4 =	sadd.s32 s4, s7  }
0x9: {  	s5 =	sadd.s32 s5, s7;
	s6 =	smax.u32 s6, $0x1;
	s7 =	simm.s32 $0x1  }
.LBB2_1:
0xa: {  	[tilespmem:s2], [sflag:$0x1] =	stream.linear.gather [hbm4b:s3+s2], $0x2800, $0x38;
	[tilespmem:$0x7700] =	vst v63  }
0xb: {  	_ =	swait.ge [sflag:s7], $0x2800  }
0xc: {  	[sflag:s7] =	ssyncset.done $0x0  }
0xd: {  	[sflag:s7] =	ssyncadd.s32 $0xFFFFD800  }
0xe: {  	[tilespmem:s8], [sflag:$0x1] =	stream.linear.gather [hbm4b:s4+s2], $0x2710, $0x38;
	[tilespmem:$0x7700] =	vst v63  }
0xf: {  	_ =	swait.ge [sflag:s7], $0x2710  }
0x10: {  	[sflag:s7] =	ssyncset.done $0x0  }
0x11: {  	s11 =	simm.s32 $0x0;
	[sflag:s7] =	ssyncadd.s32 $0xFFFFD8F0  }
0x12: {  	v0 =	vld [tilespmem:s11+$0x2800];
	_ =	sdelay $0x7  }
0x13: {  	s12 =	simm.s32 $0x10;
	s13 =	simm.s32 $0x80;
	v0 =	vld.idx.msk [tilespmem:v0+s2+$0x0], $0xffff  }
.LBB2_2:
0x14: {  	p0 =	sne.s32 s13, $0x9C00;
	v1 =	vld [tilespmem:s12+$0x2800];
	_ =	sdelay $0x3  }
.Ltmp0:
0x15: {  	(pc) =	sbr.rel @p0 .LBB2_2-.Ltmp0, $2  }
0x16: {  	[tilespmem:s11+$0x4F80] =	vst v0;
	s11 =	smov.u32 s12;
	_ =	sdelay $0x2  }
0x17: {  	s12 =	sshra.s32 s13, $0x2;
	s13 =	sadd.s32 $0x40, s13;
	v0 =	vld.idx.msk [tilespmem:v1+s2+$0x0], $0xffff  }
0x18: {  	v1 =	vld [tilespmem:s12+$0x2800];
	_ =	sdelay $0x6  }
0x19: {  	[tilespmem:s11+$0x4F80] =	vst v0  }
0x1a: {  	v0 =	vld.idx.msk [tilespmem:v1+s2+$0x0], $0xffff;
	_ =	sdelay $0x2  }
0x1b: {  	s10 =	sadd.s32 $0x1, s10  }
0x1c: {  	p0 =	sne.s32 s10, s6  }
.Ltmp1:
0x1d: {  	[tilespmem:s12+$0x4F80] =	vst v0;
	(pc) =	sbr.rel @p0 .LBB2_1-.Ltmp1, $4  }
0x1e: {  	[hbm4b:s5+s2] =	stream.linear.scatter [tilespmem:s9], [sflag:$0x1], $0x2710, $0x38;
	[tilespmem:$0x7700] =	vst v63  }
0x1f: {  	_ =	swait.ge [sflag:s7], $0x2710  }
0x20: {  	[sflag:s7] =	ssyncset.done $0x0  }
0x21: {  	[sflag:s7] =	ssyncadd.s32 $0xFFFFD8F0  }
0x22: {  	_ =	sfence.sel $0x180000  }
0x23: {  	[bflag:$0x0] =	sbarrier.arrive $0xFFFF  }
0x24: {  	p0 =	sne.s32 s0, $0x0;
	_ =	strace $0x90000047  }
0x25: {  	s0 =	sadd.s32 @!p0 $0x100000, s1;
	[bflag:$0x2] =	sbarrier.arrive $0xFFFF  }
0x26: {  	[sflag:s0] =	ssyncadd.tile.s32 @!p0 $0x1;
	_ =	shalt  }
.Lfunc_end2:
_tile_overlayer_lowered:
.L_overlay_start_2:
0x27: {  	(tag) =	ssettag $0x2  }
0x28: {  	s0 =	rddreg [dreg:$0x0];
	s2 =	stileid.u32  }
0x29: {  	s1 =	rddreg [dreg:$0x1];
	p0 =	sne.s32 s2, $0x0  }
0x2a: {  	s3 =	rddreg [dreg:$0x2];
	[bflag:$0x3] =	sbarrier.arrive $0xFFFF;
	s2 =	simm.s32 @!p0 $0x1C01  }
0x2b: {  	[timem:s3], [sflag:s2] =	dma.local @!p0 [hbm:s0], s1  }
0x2c: {  	s0 =	simm.s32 @!p0 $0x1  }
0x2d: {  	_ =	swait.ge @!p0 [sflag:s0], s1  }
0x2e: {  	s1 =	ssub.s32 @!p0 $0x0, s1;
	[sflag:s0] =	ssyncset.done @!p0 $0x0  }
0x2f: {  	[sflag:s0] =	ssyncadd.s32 @!p0 s1  }
0x30: {  	[bflag:$0x3] =	sbarrier.arrive $0xFFFF  }
0x31: {  	_ =	shalt  }

</sc_bundles>
